<compile_context>
chip_gen: v7x
topology: tpu7x:2x2x1
jax: 0.10.2.dev20260603
libtpu: 0.0.44.dev20260713+nightly
codegen_flags: <defaults>
</compile_context>

<pallas_src>
import jax
import jax.numpy as jnp
from jax import lax
from jax.experimental import pallas as pl
from jax.experimental.pallas import tpu as pltpu
from jax.experimental.pallas import tpu_sc as plsc

_B, _T, _D = 16, 576, 64
_K = 1024
_N = _B * _T
_TILE = 2304
_BPT = _TILE // _T
_NTILES = _N // _TILE
_COMMITMENT_COST = 0.25
_ENTROPY_LOSS_RATIO = 0.1

_NW = 32
_ROWS_PER_W = _N // _NW
_CHUNK = 96
_NCHUNK = _ROWS_PER_W // _CHUNK
_WPT = _TILE // _ROWS_PER_W
_DPAD = 128


def _vq_tc_body(xt_ref, cbt_ref, idx_ref, idx3_ref, loss_ref, cbp_ref,
                accp_ref, accs_ref):
    i = pl.program_id(0)
    cbt = cbt_ref[...]
    mms = []
    x2s = []
    for b in range(_BPT):
        xb = xt_ref[b]
        mms.append(lax.dot_general(xb, cbt, (((0,), (0,)), ((), ())),
                                   preferred_element_type=jnp.float32))
        x2s.append(jnp.sum(xb * xb, axis=0))
    mm = jnp.concatenate(mms, axis=0)
    x2 = jnp.concatenate(x2s, axis=0).reshape(_TILE, 1)
    c2 = jnp.sum(cbt * cbt, axis=0)[None, :]
    d2 = jnp.maximum(x2 + c2 - 2.0 * mm, 0.0)
    d = jnp.sqrt(d2)

    dmin = jnp.min(d, axis=1, keepdims=True)
    kio = lax.broadcasted_iota(jnp.int32, (_TILE, _K), 1)
    idx = jnp.min(jnp.where(d == dmin, kio, _K), axis=1)
    idx_ref[pl.ds(i * _TILE, _TILE)] = idx
    idx3_ref[...] = idx.reshape(_WPT, _NCHUNK, _CHUNK)

    sh = dmin - d
    p = jnp.exp(sh)
    s = jnp.sum(p, axis=1, keepdims=True)
    t = jnp.sum(p * sh, axis=1, keepdims=True)
    samp = jnp.sum(t / s - jnp.log(s))
    sq = jnp.sum(dmin * dmin)
    pcol = jnp.sum(p * (1.0 / s), axis=0, keepdims=True)

    @pl.when(i == 0)
    def _():
        cbp_ref[:, :_D] = lax.transpose(cbt, (1, 0))
        cbp_ref[:, _D:] = jnp.zeros((_K, _DPAD - _D), jnp.float32)
        accp_ref[...] = jnp.zeros_like(accp_ref)
        accs_ref[0] = 0.0
        accs_ref[1] = 0.0

    accp_ref[...] += pcol
    accs_ref[0] += sq
    accs_ref[1] += samp

    @pl.when(i == _NTILES - 1)
    def _():
        avgp = accp_ref[...] / _N
        avg_ent = -jnp.sum(avgp * jnp.log(avgp + 1e-5))
        sample_ent = -(accs_ref[1] / _N)
        latent = (1.0 + _COMMITMENT_COST) * (accs_ref[0] / (_N * _D))
        loss = latent + _ENTROPY_LOSS_RATIO * (sample_ent - avg_ent)
        loss_ref[...] = jnp.full((1, 128), loss, jnp.float32)


_vq_tc = pl.pallas_call(
    _vq_tc_body,
    grid=(_NTILES,),
    in_specs=[
        pl.BlockSpec((_BPT, _D, _T), lambda i: (i, 0, 0)),
        pl.BlockSpec((_D, _K), lambda i: (0, 0)),
    ],
    out_specs=[
        pl.BlockSpec((_N,), lambda i: (0,)),
        pl.BlockSpec((_WPT, _NCHUNK, _CHUNK), lambda i: (i, 0, 0)),
        pl.BlockSpec((1, 128), lambda i: (0, 0)),
        pl.BlockSpec((_K, _DPAD), lambda i: (0, 0)),
    ],
    out_shape=[
        jax.ShapeDtypeStruct((_N,), jnp.int32),
        jax.ShapeDtypeStruct((_NW, _NCHUNK, _CHUNK), jnp.int32),
        jax.ShapeDtypeStruct((1, 128), jnp.float32),
        jax.ShapeDtypeStruct((_K, _DPAD), jnp.float32),
    ],
    scratch_shapes=[
        pltpu.VMEM((1, _K), jnp.float32),
        pltpu.SMEM((2,), jnp.float32),
    ],
)


def _sc_gather_body(cb_hbm, idx_hbm, out_hbm, idx_v, rows_v,
                    gsem0, gsem1, gsem2, ssem):
    c = lax.axis_index("c")
    s = lax.axis_index("s")
    wid = s * 2 + c
    base = wid * _ROWS_PER_W
    gsems = [gsem0, gsem1, gsem2]
    pltpu.sync_copy(idx_hbm.at[wid], idx_v)
    gathers = [
        pltpu.async_copy(cb_hbm.at[idx_v.at[j]], rows_v.at[j], gsems[j])
        for j in range(_NCHUNK)
    ]
    scatters = []
    for j in range(_NCHUNK):
        gathers[j].wait()
        scatters.append(pltpu.async_copy(
            rows_v.at[j], out_hbm.at[pl.ds(base + j * _CHUNK, _CHUNK)],
            ssem))
    for sc in scatters:
        sc.wait()


_sc_gather_cache = []


def _sc_gather(cb_pad, idx3):
    if not _sc_gather_cache:
        _sc_gather_cache.append(pl.kernel(
            _sc_gather_body,
            out_type=jax.ShapeDtypeStruct((_N, _DPAD), jnp.float32),
            mesh=plsc.VectorSubcoreMesh(core_axis_name="c",
                                        subcore_axis_name="s"),
            scratch_types=[
                pltpu.VMEM((_NCHUNK, _CHUNK), jnp.int32),
                pltpu.VMEM((_NCHUNK, _CHUNK, _DPAD), jnp.float32),
                pltpu.SemaphoreType.DMA,
                pltpu.SemaphoreType.DMA,
                pltpu.SemaphoreType.DMA,
                pltpu.SemaphoreType.DMA,
            ],
        ))
    return _sc_gather_cache[0](cb_pad, idx3)


def kernel(x, codebook):
    xt = jnp.swapaxes(x, 1, 2)
    cbt = codebook.T
    idx, idx3, loss_out, cb_pad = _vq_tc(xt, cbt)
    quantized = _sc_gather(cb_pad, idx3)
    return quantized[:, :_D].reshape(x.shape), loss_out[0, 0], idx

# --- scband reference (transcript-rebuilt; emitter-appended) ---
"""Pipeline reference for scband-vector-quantizer-57269093925315 (READ-ONLY COPY).

The authoritative reference and input builder live on the scoring server;
editing this copy changes nothing except your own understanding.
"""

import jax, jax.numpy as jnp
import numpy as np

B, T, D = 16, 576, 64
K = 1024
COMMITMENT_COST = 0.25
ENTROPY_LOSS_RATIO = 0.1
ENTROPY_TEMPERATURE = 1.0


def setup_inputs(seed: int = 0):
    key = jax.random.key(seed)
    k1, k2 = jax.random.split(key)
    x = jax.random.normal(k1, (B, T, D), dtype=jnp.float32)
    # kaiming_uniform_(fan_in, relu): bound = sqrt(2) * sqrt(3 / fan_in)
    bound = float(np.sqrt(6.0 / D))
    codebook = jax.random.uniform(k2, (K, D), minval=-bound, maxval=bound, dtype=jnp.float32)
    return {"x": x, "codebook": codebook}


def _entropy_loss(affinity, temperature):
    # loss_type='softmax' branch of the torch entropy_loss
    flat = affinity.reshape(-1, affinity.shape[-1]) / temperature
    probs = jax.nn.softmax(flat, axis=-1)
    log_probs = jax.nn.log_softmax(flat + 1e-05, axis=-1)
    target_probs = probs
    avg_probs = jnp.mean(target_probs, axis=0)
    avg_entropy = -jnp.sum(avg_probs * jnp.log(avg_probs + 1e-05))
    sample_entropy = -jnp.mean(jnp.sum(target_probs * log_probs, axis=-1))
    return sample_entropy - avg_entropy


def reference(x, codebook):
    x_shape = x.shape
    flat_x = x.reshape(-1, x_shape[-1])
    # l2_normalize=False branch: euclidean cdist
    x2 = jnp.sum(flat_x * flat_x, axis=1, keepdims=True)
    c2 = jnp.sum(codebook * codebook, axis=1)[None, :]
    d2 = jnp.maximum(x2 + c2 - 2.0 * (flat_x @ codebook.T), 0.0)
    distances = jnp.sqrt(d2)
    encoding_indices = jnp.argmin(distances, axis=1)
    encodings = jax.nn.one_hot(encoding_indices, K, dtype=x.dtype)
    # quantize via one-hot matmul (equivalent to codebook gather)
    quantized = (encodings @ codebook).reshape(x_shape)
    e_latent_loss = jnp.mean((jax.lax.stop_gradient(quantized) - x) ** 2) * COMMITMENT_COST
    q_latent_loss = jnp.mean((quantized - jax.lax.stop_gradient(x)) ** 2)
    ent_loss = _entropy_loss(-distances, ENTROPY_TEMPERATURE) * ENTROPY_LOSS_RATIO
    loss = e_latent_loss + q_latent_loss + ent_loss
    # straight-through estimator output
    quantized_st = x + jax.lax.stop_gradient(quantized - x)
    return quantized_st, loss, encoding_indices

if __name__ == "__main__":
    import jax
    _d = setup_inputs()
    print(jax.jit(kernel)(*tuple(_d.values())))

</pallas_src>

<mosaic_0001>
#map = affine_map<(d0, d1) -> (0, 0)>
#map1 = affine_map<(d0, d1) -> (0, 0, 0)>
module attributes {stable_mosaic.version = 14 : i64} {
  func.func @_sc_gather_body(%arg0: i32, %arg1: i32, %arg2: memref<1024x128xf32, #tpu.memory_space<hbm>>, %arg3: memref<32x3x96xi32, #tpu.memory_space<hbm>>, %arg4: memref<9216x128xf32, #tpu.memory_space<hbm>>, %arg5: memref<3x96xi32, #tpu.memory_space<vmem>>, %arg6: memref<3x96x128xf32, #tpu.memory_space<vmem>>, %arg7: memref<!tpu.dma_semaphore, #tpu.memory_space<semaphore_mem>>, %arg8: memref<!tpu.dma_semaphore, #tpu.memory_space<semaphore_mem>>, %arg9: memref<!tpu.dma_semaphore, #tpu.memory_space<semaphore_mem>>, %arg10: memref<!tpu.dma_semaphore, #tpu.memory_space<semaphore_mem>>) attributes {dimension_semantics = [#tpu.dimension_semantics<core_parallel>, #tpu.dimension_semantics<subcore_parallel>], iteration_bounds = array<i64: 2, 16>, scalar_prefetch = 0 : i64, scratch_operands = 6 : i64, tpu.core_type = #tpu.core_type<sc_vector_subcore>, window_params = [{transform_indices = #map}, {transform_indices = #map1}, {transform_indices = #map}]} {
    %mul3A = arith.constant 2 : i32
    %mul3A_0 = arith.muli %arg1, %mul3A : i32
    %add3A = arith.addi %mul3A_0, %arg0 : i32
    %mul3A_1 = arith.constant 288 : i32
    %mul3A_2 = arith.muli %add3A, %mul3A_1 : i32
    "tpu.region"() ({
      %run_scoped3A = tpu.sem_alloc : memref<!tpu.dma_semaphore, #tpu.memory_space<semaphore_mem>>
      %dma_start3A_157 = arith.constant 0 : i32
      %dma_start3A_158 = arith.constant 0 : i32
      %dma_start3A_159 = tpu.memref_slice %arg3[%add3A, %dma_start3A_157, %dma_start3A_158] : memref<32x3x96xi32, #tpu.memory_space<hbm>> -> memref<1x3x96xi32, #tpu.memory_space<hbm>>
      %dma_start3A_160 = tpu.memref_squeeze %dma_start3A_159 : memref<1x3x96xi32, #tpu.memory_space<hbm>> -> memref<3x96xi32, #tpu.memory_space<hbm>>
      %dma_start3A_161 = arith.constant 0 : i32
      %dma_start3A_162 = arith.constant 0 : i32
      %dma_start3A_163 = tpu.memref_slice %arg3[%add3A, %dma_start3A_161, %dma_start3A_162] : memref<32x3x96xi32, #tpu.memory_space<hbm>> -> memref<1x3x96xi32, #tpu.memory_space<hbm>>
      %dma_start3A_164 = tpu.memref_squeeze %dma_start3A_163 : memref<1x3x96xi32, #tpu.memory_space<hbm>> -> memref<3x96xi32, #tpu.memory_space<hbm>>
      tpu.enqueue_dma source(%dma_start3A_164 : memref<3x96xi32, #tpu.memory_space<hbm>>) target(%arg5 : memref<3x96xi32, #tpu.memory_space<vmem>>) target_semaphore(%run_scoped3A : memref<!tpu.dma_semaphore, #tpu.memory_space<semaphore_mem>>)
      %dma_wait3A_165 = arith.constant 0 : i32
      %dma_wait3A_166 = arith.constant 0 : i32
      %dma_wait3A_167 = tpu.memref_slice %arg3[%add3A, %dma_wait3A_165, %dma_wait3A_166] : memref<32x3x96xi32, #tpu.memory_space<hbm>> -> memref<1x3x96xi32, #tpu.memory_space<hbm>>
      %dma_wait3A_168 = tpu.memref_squeeze %dma_wait3A_167 : memref<1x3x96xi32, #tpu.memory_space<hbm>> -> memref<3x96xi32, #tpu.memory_space<hbm>>
      %dma_wait3A_169 = arith.constant 0 : i32
      %dma_wait3A_170 = arith.constant 0 : i32
      %dma_wait3A_171 = tpu.memref_slice %arg3[%add3A, %dma_wait3A_169, %dma_wait3A_170] : memref<32x3x96xi32, #tpu.memory_space<hbm>> -> memref<1x3x96xi32, #tpu.memory_space<hbm>>
      %dma_wait3A_172 = tpu.memref_squeeze %dma_wait3A_171 : memref<1x3x96xi32, #tpu.memory_space<hbm>> -> memref<3x96xi32, #tpu.memory_space<hbm>>
      tpu.wait_dma2 semaphore(%run_scoped3A : memref<!tpu.dma_semaphore, #tpu.memory_space<semaphore_mem>>) src(%dma_wait3A_172 : memref<3x96xi32, #tpu.memory_space<hbm>>) dst(%arg5 : memref<3x96xi32, #tpu.memory_space<vmem>>)
      tpu.yield
    }) : () -> ()
    %dma_start3A = arith.constant 0 : i32
    %dma_start3A_3 = arith.constant 0 : i32
    %dma_start3A_4 = arith.constant 0 : i32
    %dma_start3A_5 = arith.constant 0 : i32
    %dma_start3A_6 = tpu.memref_slice %arg6[%dma_start3A_3, %dma_start3A_4, %dma_start3A_5] : memref<3x96x128xf32, #tpu.memory_space<vmem>> -> memref<1x96x128xf32, #tpu.memory_space<vmem>>
    %dma_start3A_7 = tpu.memref_squeeze %dma_start3A_6 : memref<1x96x128xf32, #tpu.memory_space<vmem>> -> memref<96x128xf32, #tpu.memory_space<vmem>>
    %dma_start3A_8 = arith.constant 0 : i32
    %dma_start3A_9 = tpu.memref_slice %arg5[%dma_start3A, %dma_start3A_8] : memref<3x96xi32, #tpu.memory_space<vmem>> -> memref<1x96xi32, #tpu.memory_space<vmem>>
    %dma_start3A_10 = tpu.memref_squeeze %dma_start3A_9 : memref<1x96xi32, #tpu.memory_space<vmem>> -> memref<96xi32, #tpu.memory_space<vmem>>
    %dma_start3A_11 = arith.constant 0 : i32
    %dma_start3A_12 = arith.constant 0 : i32
    %dma_start3A_13 = tpu.memref_slice %arg2[%dma_start3A_11, %dma_start3A_12] : memref<1024x128xf32, #tpu.memory_space<hbm>> -> memref<1024x128xf32, #tpu.memory_space<hbm>>
    tpu.enqueue_indirect_dma source(%dma_start3A_13 : memref<1024x128xf32, #tpu.memory_space<hbm>>) target(%dma_start3A_7 : memref<96x128xf32, #tpu.memory_space<vmem>>) offsets(%dma_start3A_10 : memref<96xi32, #tpu.memory_space<vmem>>) semaphore(%arg7 : memref<!tpu.dma_semaphore, #tpu.memory_space<semaphore_mem>>)
    %dma_start3A_14 = arith.constant 1 : i32
    %dma_start3A_15 = arith.constant 1 : i32
    %dma_start3A_16 = arith.constant 0 : i32
    %dma_start3A_17 = arith.constant 0 : i32
    %dma_start3A_18 = tpu.memref_slice %arg6[%dma_start3A_15, %dma_start3A_16, %dma_start3A_17] : memref<3x96x128xf32, #tpu.memory_space<vmem>> -> memref<1x96x128xf32, #tpu.memory_space<vmem>>
    %dma_start3A_19 = tpu.memref_squeeze %dma_start3A_18 : memref<1x96x128xf32, #tpu.memory_space<vmem>> -> memref<96x128xf32, #tpu.memory_space<vmem>>
    %dma_start3A_20 = arith.constant 0 : i32
    %dma_start3A_21 = tpu.memref_slice %arg5[%dma_start3A_14, %dma_start3A_20] : memref<3x96xi32, #tpu.memory_space<vmem>> -> memref<1x96xi32, #tpu.memory_space<vmem>>
    %dma_start3A_22 = tpu.memref_squeeze %dma_start3A_21 : memref<1x96xi32, #tpu.memory_space<vmem>> -> memref<96xi32, #tpu.memory_space<vmem>>
    %dma_start3A_23 = arith.constant 0 : i32
    %dma_start3A_24 = arith.constant 0 : i32
    %dma_start3A_25 = tpu.memref_slice %arg2[%dma_start3A_23, %dma_start3A_24] : memref<1024x128xf32, #tpu.memory_space<hbm>> -> memref<1024x128xf32, #tpu.memory_space<hbm>>
    tpu.enqueue_indirect_dma source(%dma_start3A_25 : memref<1024x128xf32, #tpu.memory_space<hbm>>) target(%dma_start3A_19 : memref<96x128xf32, #tpu.memory_space<vmem>>) offsets(%dma_start3A_22 : memref<96xi32, #tpu.memory_space<vmem>>) semaphore(%arg8 : memref<!tpu.dma_semaphore, #tpu.memory_space<semaphore_mem>>)
    %dma_start3A_26 = arith.constant 2 : i32
    %dma_start3A_27 = arith.constant 2 : i32
    %dma_start3A_28 = arith.constant 0 : i32
    %dma_start3A_29 = arith.constant 0 : i32
    %dma_start3A_30 = tpu.memref_slice %arg6[%dma_start3A_27, %dma_start3A_28, %dma_start3A_29] : memref<3x96x128xf32, #tpu.memory_space<vmem>> -> memref<1x96x128xf32, #tpu.memory_space<vmem>>
    %dma_start3A_31 = tpu.memref_squeeze %dma_start3A_30 : memref<1x96x128xf32, #tpu.memory_space<vmem>> -> memref<96x128xf32, #tpu.memory_space<vmem>>
    %dma_start3A_32 = arith.constant 0 : i32
    %dma_start3A_33 = tpu.memref_slice %arg5[%dma_start3A_26, %dma_start3A_32] : memref<3x96xi32, #tpu.memory_space<vmem>> -> memref<1x96xi32, #tpu.memory_space<vmem>>
    %dma_start3A_34 = tpu.memref_squeeze %dma_start3A_33 : memref<1x96xi32, #tpu.memory_space<vmem>> -> memref<96xi32, #tpu.memory_space<vmem>>
    %dma_start3A_35 = arith.constant 0 : i32
    %dma_start3A_36 = arith.constant 0 : i32
    %dma_start3A_37 = tpu.memref_slice %arg2[%dma_start3A_35, %dma_start3A_36] : memref<1024x128xf32, #tpu.memory_space<hbm>> -> memref<1024x128xf32, #tpu.memory_space<hbm>>
    tpu.enqueue_indirect_dma source(%dma_start3A_37 : memref<1024x128xf32, #tpu.memory_space<hbm>>) target(%dma_start3A_31 : memref<96x128xf32, #tpu.memory_space<vmem>>) offsets(%dma_start3A_34 : memref<96xi32, #tpu.memory_space<vmem>>) semaphore(%arg9 : memref<!tpu.dma_semaphore, #tpu.memory_space<semaphore_mem>>)
    %dma_wait3A = arith.constant 0 : i32
    %dma_wait3A_38 = arith.constant 0 : i32
    %dma_wait3A_39 = arith.constant 0 : i32
    %dma_wait3A_40 = arith.constant 0 : i32
    %dma_wait3A_41 = tpu.memref_slice %arg6[%dma_wait3A_38, %dma_wait3A_39, %dma_wait3A_40] : memref<3x96x128xf32, #tpu.memory_space<vmem>> -> memref<1x96x128xf32, #tpu.memory_space<vmem>>
    %dma_wait3A_42 = tpu.memref_squeeze %dma_wait3A_41 : memref<1x96x128xf32, #tpu.memory_space<vmem>> -> memref<96x128xf32, #tpu.memory_space<vmem>>
    %dma_wait3A_43 = arith.constant 0 : i32
    %dma_wait3A_44 = tpu.memref_slice %arg5[%dma_wait3A, %dma_wait3A_43] : memref<3x96xi32, #tpu.memory_space<vmem>> -> memref<1x96xi32, #tpu.memory_space<vmem>>
    %dma_wait3A_45 = tpu.memref_squeeze %dma_wait3A_44 : memref<1x96xi32, #tpu.memory_space<vmem>> -> memref<96xi32, #tpu.memory_space<vmem>>
    %dma_wait3A_46 = arith.constant 0 : i32
    %dma_wait3A_47 = arith.constant 0 : i32
    %dma_wait3A_48 = tpu.memref_slice %arg2[%dma_wait3A_46, %dma_wait3A_47] : memref<1024x128xf32, #tpu.memory_space<hbm>> -> memref<1024x128xf32, #tpu.memory_space<hbm>>
    tpu.wait_indirect_dma semaphore(%arg7 : memref<!tpu.dma_semaphore, #tpu.memory_space<semaphore_mem>>) src(%dma_wait3A_48 : memref<1024x128xf32, #tpu.memory_space<hbm>>) dst(%dma_wait3A_42 : memref<96x128xf32, #tpu.memory_space<vmem>>)
    %add3A_49 = arith.constant 0 : i32
    %add3A_50 = arith.addi %mul3A_2, %add3A_49 : i32
    %dma_start3A_51 = arith.constant 0 : i32
    %dma_start3A_52 = arith.constant 0 : i32
    %dma_start3A_53 = arith.constant 0 : i32
    %dma_start3A_54 = tpu.memref_slice %arg6[%dma_start3A_51, %dma_start3A_52, %dma_start3A_53] : memref<3x96x128xf32, #tpu.memory_space<vmem>> -> memref<1x96x128xf32, #tpu.memory_space<vmem>>
    %dma_start3A_55 = tpu.memref_squeeze %dma_start3A_54 : memref<1x96x128xf32, #tpu.memory_space<vmem>> -> memref<96x128xf32, #tpu.memory_space<vmem>>
    %dma_start3A_56 = arith.constant 0 : i32
    %dma_start3A_57 = tpu.memref_slice %arg4[%add3A_50, %dma_start3A_56] : memref<9216x128xf32, #tpu.memory_space<hbm>> -> memref<96x128xf32, #tpu.memory_space<hbm>>
    %dma_start3A_58 = arith.constant 0 : i32
    %dma_start3A_59 = tpu.memref_slice %arg4[%add3A_50, %dma_start3A_58] : memref<9216x128xf32, #tpu.memory_space<hbm>> -> memref<96x128xf32, #tpu.memory_space<hbm>>
    %dma_start3A_60 = arith.constant 0 : i32
    %dma_start3A_61 = arith.constant 0 : i32
    %dma_start3A_62 = tpu.memref_slice %arg6[%dma_start3A_51, %dma_start3A_60, %dma_start3A_61] : memref<3x96x128xf32, #tpu.memory_space<vmem>> -> memref<1x96x128xf32, #tpu.memory_space<vmem>>
    %dma_start3A_63 = tpu.memref_squeeze %dma_start3A_62 : memref<1x96x128xf32, #tpu.memory_space<vmem>> -> memref<96x128xf32, #tpu.memory_space<vmem>>
    tpu.enqueue_dma source(%dma_start3A_63 : memref<96x128xf32, #tpu.memory_space<vmem>>) target(%dma_start3A_59 : memref<96x128xf32, #tpu.memory_space<hbm>>) target_semaphore(%arg10 : memref<!tpu.dma_semaphore, #tpu.memory_space<semaphore_mem>>)
    %dma_wait3A_64 = arith.constant 1 : i32
    %dma_wait3A_65 = arith.constant 1 : i32
    %dma_wait3A_66 = arith.constant 0 : i32
    %dma_wait3A_67 = arith.constant 0 : i32
    %dma_wait3A_68 = tpu.memref_slice %arg6[%dma_wait3A_65, %dma_wait3A_66, %dma_wait3A_67] : memref<3x96x128xf32, #tpu.memory_space<vmem>> -> memref<1x96x128xf32, #tpu.memory_space<vmem>>
    %dma_wait3A_69 = tpu.memref_squeeze %dma_wait3A_68 : memref<1x96x128xf32, #tpu.memory_space<vmem>> -> memref<96x128xf32, #tpu.memory_space<vmem>>
    %dma_wait3A_70 = arith.constant 0 : i32
    %dma_wait3A_71 = tpu.memref_slice %arg5[%dma_wait3A_64, %dma_wait3A_70] : memref<3x96xi32, #tpu.memory_space<vmem>> -> memref<1x96xi32, #tpu.memory_space<vmem>>
    %dma_wait3A_72 = tpu.memref_squeeze %dma_wait3A_71 : memref<1x96xi32, #tpu.memory_space<vmem>> -> memref<96xi32, #tpu.memory_space<vmem>>
    %dma_wait3A_73 = arith.constant 0 : i32
    %dma_wait3A_74 = arith.constant 0 : i32
    %dma_wait3A_75 = tpu.memref_slice %arg2[%dma_wait3A_73, %dma_wait3A_74] : memref<1024x128xf32, #tpu.memory_space<hbm>> -> memref<1024x128xf32, #tpu.memory_space<hbm>>
    tpu.wait_indirect_dma semaphore(%arg8 : memref<!tpu.dma_semaphore, #tpu.memory_space<semaphore_mem>>) src(%dma_wait3A_75 : memref<1024x128xf32, #tpu.memory_space<hbm>>) dst(%dma_wait3A_69 : memref<96x128xf32, #tpu.memory_space<vmem>>)
    %add3A_76 = arith.constant 96 : i32
    %add3A_77 = arith.addi %mul3A_2, %add3A_76 : i32
    %dma_start3A_78 = arith.constant 1 : i32
    %dma_start3A_79 = arith.constant 0 : i32
    %dma_start3A_80 = arith.constant 0 : i32
    %dma_start3A_81 = tpu.memref_slice %arg6[%dma_start3A_78, %dma_start3A_79, %dma_start3A_80] : memref<3x96x128xf32, #tpu.memory_space<vmem>> -> memref<1x96x128xf32, #tpu.memory_space<vmem>>
    %dma_start3A_82 = tpu.memref_squeeze %dma_start3A_81 : memref<1x96x128xf32, #tpu.memory_space<vmem>> -> memref<96x128xf32, #tpu.memory_space<vmem>>
    %dma_start3A_83 = arith.constant 0 : i32
    %dma_start3A_84 = tpu.memref_slice %arg4[%add3A_77, %dma_start3A_83] : memref<9216x128xf32, #tpu.memory_space<hbm>> -> memref<96x128xf32, #tpu.memory_space<hbm>>
    %dma_start3A_85 = arith.constant 0 : i32
    %dma_start3A_86 = tpu.memref_slice %arg4[%add3A_77, %dma_start3A_85] : memref<9216x128xf32, #tpu.memory_space<hbm>> -> memref<96x128xf32, #tpu.memory_space<hbm>>
    %dma_start3A_87 = arith.constant 0 : i32
    %dma_start3A_88 = arith.constant 0 : i32
    %dma_start3A_89 = tpu.memref_slice %arg6[%dma_start3A_78, %dma_start3A_87, %dma_start3A_88] : memref<3x96x128xf32, #tpu.memory_space<vmem>> -> memref<1x96x128xf32, #tpu.memory_space<vmem>>
    %dma_start3A_90 = tpu.memref_squeeze %dma_start3A_89 : memref<1x96x128xf32, #tpu.memory_space<vmem>> -> memref<96x128xf32, #tpu.memory_space<vmem>>
    tpu.enqueue_dma source(%dma_start3A_90 : memref<96x128xf32, #tpu.memory_space<vmem>>) target(%dma_start3A_86 : memref<96x128xf32, #tpu.memory_space<hbm>>) target_semaphore(%arg10 : memref<!tpu.dma_semaphore, #tpu.memory_space<semaphore_mem>>)
    %dma_wait3A_91 = arith.constant 2 : i32
    %dma_wait3A_92 = arith.constant 2 : i32
    %dma_wait3A_93 = arith.constant 0 : i32
    %dma_wait3A_94 = arith.constant 0 : i32
    %dma_wait3A_95 = tpu.memref_slice %arg6[%dma_wait3A_92, %dma_wait3A_93, %dma_wait3A_94] : memref<3x96x128xf32, #tpu.memory_space<vmem>> -> memref<1x96x128xf32, #tpu.memory_space<vmem>>
    %dma_wait3A_96 = tpu.memref_squeeze %dma_wait3A_95 : memref<1x96x128xf32, #tpu.memory_space<vmem>> -> memref<96x128xf32, #tpu.memory_space<vmem>>
    %dma_wait3A_97 = arith.constant 0 : i32
    %dma_wait3A_98 = tpu.memref_slice %arg5[%dma_wait3A_91, %dma_wait3A_97] : memref<3x96xi32, #tpu.memory_space<vmem>> -> memref<1x96xi32, #tpu.memory_space<vmem>>
    %dma_wait3A_99 = tpu.memref_squeeze %dma_wait3A_98 : memref<1x96xi32, #tpu.memory_space<vmem>> -> memref<96xi32, #tpu.memory_space<vmem>>
    %dma_wait3A_100 = arith.constant 0 : i32
    %dma_wait3A_101 = arith.constant 0 : i32
    %dma_wait3A_102 = tpu.memref_slice %arg2[%dma_wait3A_100, %dma_wait3A_101] : memref<1024x128xf32, #tpu.memory_space<hbm>> -> memref<1024x128xf32, #tpu.memory_space<hbm>>
    tpu.wait_indirect_dma semaphore(%arg9 : memref<!tpu.dma_semaphore, #tpu.memory_space<semaphore_mem>>) src(%dma_wait3A_102 : memref<1024x128xf32, #tpu.memory_space<hbm>>) dst(%dma_wait3A_96 : memref<96x128xf32, #tpu.memory_space<vmem>>)
    %add3A_103 = arith.constant 192 : i32
    %add3A_104 = arith.addi %mul3A_2, %add3A_103 : i32
    %dma_start3A_105 = arith.constant 2 : i32
    %dma_start3A_106 = arith.constant 0 : i32
    %dma_start3A_107 = arith.constant 0 : i32
    %dma_start3A_108 = tpu.memref_slice %arg6[%dma_start3A_105, %dma_start3A_106, %dma_start3A_107] : memref<3x96x128xf32, #tpu.memory_space<vmem>> -> memref<1x96x128xf32, #tpu.memory_space<vmem>>
    %dma_start3A_109 = tpu.memref_squeeze %dma_start3A_108 : memref<1x96x128xf32, #tpu.memory_space<vmem>> -> memref<96x128xf32, #tpu.memory_space<vmem>>
    %dma_start3A_110 = arith.constant 0 : i32
    %dma_start3A_111 = tpu.memref_slice %arg4[%add3A_104, %dma_start3A_110] : memref<9216x128xf32, #tpu.memory_space<hbm>> -> memref<96x128xf32, #tpu.memory_space<hbm>>
    %dma_start3A_112 = arith.constant 0 : i32
    %dma_start3A_113 = tpu.memref_slice %arg4[%add3A_104, %dma_start3A_112] : memref<9216x128xf32, #tpu.memory_space<hbm>> -> memref<96x128xf32, #tpu.memory_space<hbm>>
    %dma_start3A_114 = arith.constant 0 : i32
    %dma_start3A_115 = arith.constant 0 : i32
    %dma_start3A_116 = tpu.memref_slice %arg6[%dma_start3A_105, %dma_start3A_114, %dma_start3A_115] : memref<3x96x128xf32, #tpu.memory_space<vmem>> -> memref<1x96x128xf32, #tpu.memory_space<vmem>>
    %dma_start3A_117 = tpu.memref_squeeze %dma_start3A_116 : memref<1x96x128xf32, #tpu.memory_space<vmem>> -> memref<96x128xf32, #tpu.memory_space<vmem>>
    tpu.enqueue_dma source(%dma_start3A_117 : memref<96x128xf32, #tpu.memory_space<vmem>>) target(%dma_start3A_113 : memref<96x128xf32, #tpu.memory_space<hbm>>) target_semaphore(%arg10 : memref<!tpu.dma_semaphore, #tpu.memory_space<semaphore_mem>>)
    %dma_wait3A_118 = arith.constant 0 : i32
    %dma_wait3A_119 = arith.constant 0 : i32
    %dma_wait3A_120 = arith.constant 0 : i32
    %dma_wait3A_121 = tpu.memref_slice %arg6[%dma_wait3A_118, %dma_wait3A_119, %dma_wait3A_120] : memref<3x96x128xf32, #tpu.memory_space<vmem>> -> memref<1x96x128xf32, #tpu.memory_space<vmem>>
    %dma_wait3A_122 = tpu.memref_squeeze %dma_wait3A_121 : memref<1x96x128xf32, #tpu.memory_space<vmem>> -> memref<96x128xf32, #tpu.memory_space<vmem>>
    %dma_wait3A_123 = arith.constant 0 : i32
    %dma_wait3A_124 = tpu.memref_slice %arg4[%add3A_50, %dma_wait3A_123] : memref<9216x128xf32, #tpu.memory_space<hbm>> -> memref<96x128xf32, #tpu.memory_space<hbm>>
    %dma_wait3A_125 = arith.constant 0 : i32
    %dma_wait3A_126 = tpu.memref_slice %arg4[%add3A_50, %dma_wait3A_125] : memref<9216x128xf32, #tpu.memory_space<hbm>> -> memref<96x128xf32, #tpu.memory_space<hbm>>
    %dma_wait3A_127 = arith.constant 0 : i32
    %dma_wait3A_128 = arith.constant 0 : i32
    %dma_wait3A_129 = tpu.memref_slice %arg6[%dma_wait3A_118, %dma_wait3A_127, %dma_wait3A_128] : memref<3x96x128xf32, #tpu.memory_space<vmem>> -> memref<1x96x128xf32, #tpu.memory_space<vmem>>
    %dma_wait3A_130 = tpu.memref_squeeze %dma_wait3A_129 : memref<1x96x128xf32, #tpu.memory_space<vmem>> -> memref<96x128xf32, #tpu.memory_space<vmem>>
    tpu.wait_dma2 semaphore(%arg10 : memref<!tpu.dma_semaphore, #tpu.memory_space<semaphore_mem>>) src(%dma_wait3A_130 : memref<96x128xf32, #tpu.memory_space<vmem>>) dst(%dma_wait3A_126 : memref<96x128xf32, #tpu.memory_space<hbm>>)
    %dma_wait3A_131 = arith.constant 1 : i32
    %dma_wait3A_132 = arith.constant 0 : i32
    %dma_wait3A_133 = arith.constant 0 : i32
    %dma_wait3A_134 = tpu.memref_slice %arg6[%dma_wait3A_131, %dma_wait3A_132, %dma_wait3A_133] : memref<3x96x128xf32, #tpu.memory_space<vmem>> -> memref<1x96x128xf32, #tpu.memory_space<vmem>>
    %dma_wait3A_135 = tpu.memref_squeeze %dma_wait3A_134 : memref<1x96x128xf32, #tpu.memory_space<vmem>> -> memref<96x128xf32, #tpu.memory_space<vmem>>
    %dma_wait3A_136 = arith.constant 0 : i32
    %dma_wait3A_137 = tpu.memref_slice %arg4[%add3A_77, %dma_wait3A_136] : memref<9216x128xf32, #tpu.memory_space<hbm>> -> memref<96x128xf32, #tpu.memory_space<hbm>>
    %dma_wait3A_138 = arith.constant 0 : i32
    %dma_wait3A_139 = tpu.memref_slice %arg4[%add3A_77, %dma_wait3A_138] : memref<9216x128xf32, #tpu.memory_space<hbm>> -> memref<96x128xf32, #tpu.memory_space<hbm>>
    %dma_wait3A_140 = arith.constant 0 : i32
    %dma_wait3A_141 = arith.constant 0 : i32
    %dma_wait3A_142 = tpu.memref_slice %arg6[%dma_wait3A_131, %dma_wait3A_140, %dma_wait3A_141] : memref<3x96x128xf32, #tpu.memory_space<vmem>> -> memref<1x96x128xf32, #tpu.memory_space<vmem>>
    %dma_wait3A_143 = tpu.memref_squeeze %dma_wait3A_142 : memref<1x96x128xf32, #tpu.memory_space<vmem>> -> memref<96x128xf32, #tpu.memory_space<vmem>>
    tpu.wait_dma2 semaphore(%arg10 : memref<!tpu.dma_semaphore, #tpu.memory_space<semaphore_mem>>) src(%dma_wait3A_143 : memref<96x128xf32, #tpu.memory_space<vmem>>) dst(%dma_wait3A_139 : memref<96x128xf32, #tpu.memory_space<hbm>>)
    %dma_wait3A_144 = arith.constant 2 : i32
    %dma_wait3A_145 = arith.constant 0 : i32
    %dma_wait3A_146 = arith.constant 0 : i32
    %dma_wait3A_147 = tpu.memref_slice %arg6[%dma_wait3A_144, %dma_wait3A_145, %dma_wait3A_146] : memref<3x96x128xf32, #tpu.memory_space<vmem>> -> memref<1x96x128xf32, #tpu.memory_space<vmem>>
    %dma_wait3A_148 = tpu.memref_squeeze %dma_wait3A_147 : memref<1x96x128xf32, #tpu.memory_space<vmem>> -> memref<96x128xf32, #tpu.memory_space<vmem>>
    %dma_wait3A_149 = arith.constant 0 : i32
    %dma_wait3A_150 = tpu.memref_slice %arg4[%add3A_104, %dma_wait3A_149] : memref<9216x128xf32, #tpu.memory_space<hbm>> -> memref<96x128xf32, #tpu.memory_space<hbm>>
    %dma_wait3A_151 = arith.constant 0 : i32
    %dma_wait3A_152 = tpu.memref_slice %arg4[%add3A_104, %dma_wait3A_151] : memref<9216x128xf32, #tpu.memory_space<hbm>> -> memref<96x128xf32, #tpu.memory_space<hbm>>
    %dma_wait3A_153 = arith.constant 0 : i32
    %dma_wait3A_154 = arith.constant 0 : i32
    %dma_wait3A_155 = tpu.memref_slice %arg6[%dma_wait3A_144, %dma_wait3A_153, %dma_wait3A_154] : memref<3x96x128xf32, #tpu.memory_space<vmem>> -> memref<1x96x128xf32, #tpu.memory_space<vmem>>
    %dma_wait3A_156 = tpu.memref_squeeze %dma_wait3A_155 : memref<1x96x128xf32, #tpu.memory_space<vmem>> -> memref<96x128xf32, #tpu.memory_space<vmem>>
    tpu.wait_dma2 semaphore(%arg10 : memref<!tpu.dma_semaphore, #tpu.memory_space<semaphore_mem>>) src(%dma_wait3A_156 : memref<96x128xf32, #tpu.memory_space<vmem>>) dst(%dma_wait3A_152 : memref<96x128xf32, #tpu.memory_space<hbm>>)
    return
  }
}

module attributes {stable_mosaic.version = 14 : i64} {
  func.func @_vq_tc_body(%arg0: i32, %arg1: memref<4x64x576xf32, #tpu.memory_space<vmem>>, %arg2: memref<64x1024xf32, #tpu.memory_space<vmem>>, %arg3: memref<9216xi32, #tpu.memory_space<vmem>>, %arg4: memref<8x3x96xi32, #tpu.memory_space<vmem>>, %arg5: memref<1x128xf32, #tpu.memory_space<vmem>>, %arg6: memref<1024x128xf32, #tpu.memory_space<vmem>>, %arg7: memref<1x1024xf32, #tpu.memory_space<vmem>>, %arg8: memref<2xf32, #tpu.memory_space<smem>>) attributes {dimension_semantics = [#tpu.dimension_semantics<arbitrary>], iteration_bounds = array<i64: 4>, scalar_prefetch = 0 : i64, scratch_operands = 2 : i64, tpu.core_type = #tpu.core_type<tc>, window_params = [{transform_indices = @transform_0, window_bounds = array<i64: 4, 64, 576>}, {pipeline_mode = #tpu.pipeline_mode<synchronous>, transform_indices = @transform_1, window_bounds = array<i64: 64, 1024>}, {pipeline_mode = #tpu.pipeline_mode<synchronous>, transform_indices = @transform_2, window_bounds = array<i64: 9216>}, {transform_indices = @transform_3, window_bounds = array<i64: 8, 3, 96>}, {pipeline_mode = #tpu.pipeline_mode<synchronous>, transform_indices = @transform_4, window_bounds = array<i64: 1, 128>}, {pipeline_mode = #tpu.pipeline_mode<synchronous>, transform_indices = @transform_5, window_bounds = array<i64: 1024, 128>}]} {
    %get3A = arith.constant 0 : index
    %get3A_0 = arith.constant 0 : index
    %get3A_1 = vector.load %arg2[%get3A, %get3A_0] : memref<64x1024xf32, #tpu.memory_space<vmem>>, vector<64x1024xf32>
    %get3A_2 = arith.constant 0 : index
    %get3A_3 = arith.constant 0 : index
    %get3A_4 = arith.constant 0 : index
    %get3A_5 = vector.load %arg1[%get3A_2, %get3A_3, %get3A_4] : memref<4x64x576xf32, #tpu.memory_space<vmem>>, vector<1x64x576xf32>
    %get3A_6 = vector.shape_cast %get3A_5 : vector<1x64x576xf32> to vector<64x576xf32>
    %dot_general3A = arith.constant dense<0.000000e+00> : vector<576x1024xf32>
    %dot_general3A_7 = tpu.matmul %get3A_6, %get3A_1, %dot_general3A {dimension_numbers = #tpu.dot_dimension_numbers<[0], [0], [1], [1], [0, 1, 1, 1], [], []>, transpose_lhs_hint = false} : vector<64x576xf32>, vector<64x1024xf32>, vector<576x1024xf32> -> vector<576x1024xf32>
    %mul3A = arith.mulf %get3A_6, %get3A_6 : vector<64x576xf32>
    %reduce_sum3A = arith.constant dense<0.000000e+00> : vector<576xf32>
    %reduce_sum3A_8 = vector.multi_reduction <add>, %mul3A, %reduce_sum3A [0] : vector<64x576xf32> to vector<576xf32>
    %get3A_9 = arith.constant 1 : index
    %get3A_10 = arith.constant 0 : index
    %get3A_11 = arith.constant 0 : index
    %get3A_12 = vector.load %arg1[%get3A_9, %get3A_10, %get3A_11] : memref<4x64x576xf32, #tpu.memory_space<vmem>>, vector<1x64x576xf32>
    %get3A_13 = vector.shape_cast %get3A_12 : vector<1x64x576xf32> to vector<64x576xf32>
    %dot_general3A_14 = arith.constant dense<0.000000e+00> : vector<576x1024xf32>
    %dot_general3A_15 = tpu.matmul %get3A_13, %get3A_1, %dot_general3A_14 {dimension_numbers = #tpu.dot_dimension_numbers<[0], [0], [1], [1], [0, 1, 1, 1], [], []>, transpose_lhs_hint = false} : vector<64x576xf32>, vector<64x1024xf32>, vector<576x1024xf32> -> vector<576x1024xf32>
    %mul3A_16 = arith.mulf %get3A_13, %get3A_13 : vector<64x576xf32>
    %reduce_sum3A_17 = arith.constant dense<0.000000e+00> : vector<576xf32>
    %reduce_sum3A_18 = vector.multi_reduction <add>, %mul3A_16, %reduce_sum3A_17 [0] : vector<64x576xf32> to vector<576xf32>
    %get3A_19 = arith.constant 2 : index
    %get3A_20 = arith.constant 0 : index
    %get3A_21 = arith.constant 0 : index
    %get3A_22 = vector.load %arg1[%get3A_19, %get3A_20, %get3A_21] : memref<4x64x576xf32, #tpu.memory_space<vmem>>, vector<1x64x576xf32>
    %get3A_23 = vector.shape_cast %get3A_22 : vector<1x64x576xf32> to vector<64x576xf32>
    %dot_general3A_24 = arith.constant dense<0.000000e+00> : vector<576x1024xf32>
    %dot_general3A_25 = tpu.matmul %get3A_23, %get3A_1, %dot_general3A_24 {dimension_numbers = #tpu.dot_dimension_numbers<[0], [0], [1], [1], [0, 1, 1, 1], [], []>, transpose_lhs_hint = false} : vector<64x576xf32>, vector<64x1024xf32>, vector<576x1024xf32> -> vector<576x1024xf32>
    %mul3A_26 = arith.mulf %get3A_23, %get3A_23 : vector<64x576xf32>
    %reduce_sum3A_27 = arith.constant dense<0.000000e+00> : vector<576xf32>
    %reduce_sum3A_28 = vector.multi_reduction <add>, %mul3A_26, %reduce_sum3A_27 [0] : vector<64x576xf32> to vector<576xf32>
    %get3A_29 = arith.constant 3 : index
    %get3A_30 = arith.constant 0 : index
    %get3A_31 = arith.constant 0 : index
    %get3A_32 = vector.load %arg1[%get3A_29, %get3A_30, %get3A_31] : memref<4x64x576xf32, #tpu.memory_space<vmem>>, vector<1x64x576xf32>
    %get3A_33 = vector.shape_cast %get3A_32 : vector<1x64x576xf32> to vector<64x576xf32>
    %dot_general3A_34 = arith.constant dense<0.000000e+00> : vector<576x1024xf32>
    %dot_general3A_35 = tpu.matmul %get3A_33, %get3A_1, %dot_general3A_34 {dimension_numbers = #tpu.dot_dimension_numbers<[0], [0], [1], [1], [0, 1, 1, 1], [], []>, transpose_lhs_hint = false} : vector<64x576xf32>, vector<64x1024xf32>, vector<576x1024xf32> -> vector<576x1024xf32>
    %mul3A_36 = arith.mulf %get3A_33, %get3A_33 : vector<64x576xf32>
    %reduce_sum3A_37 = arith.constant dense<0.000000e+00> : vector<576xf32>
    %reduce_sum3A_38 = vector.multi_reduction <add>, %mul3A_36, %reduce_sum3A_37 [0] : vector<64x576xf32> to vector<576xf32>
    %concatenate3A = tpu.concatenate %dot_general3A_7, %dot_general3A_15, %dot_general3A_25, %dot_general3A_35 in 0 : vector<576x1024xf32>, vector<576x1024xf32>, vector<576x1024xf32>, vector<576x1024xf32> -> vector<2304x1024xf32>
    %concatenate3A_39 = tpu.concatenate %reduce_sum3A_8, %reduce_sum3A_18, %reduce_sum3A_28, %reduce_sum3A_38 in 0 : vector<576xf32>, vector<576xf32>, vector<576xf32>, vector<576xf32> -> vector<2304xf32>
    %reshape3A = vector.shape_cast %concatenate3A_39 : vector<2304xf32> to vector<2304x1xf32>
    %mul3A_40 = arith.mulf %get3A_1, %get3A_1 : vector<64x1024xf32>
    %reduce_sum3A_41 = arith.constant dense<0.000000e+00> : vector<1024xf32>
    %reduce_sum3A_42 = vector.multi_reduction <add>, %mul3A_40, %reduce_sum3A_41 [0] : vector<64x1024xf32> to vector<1024xf32>
    %broadcast_in_dim3A = vector.shape_cast %reduce_sum3A_42 : vector<1024xf32> to vector<1x1024xf32>
    %add3A = vector.broadcast %reshape3A : vector<2304x1xf32> to vector<2304x1024xf32>
    %add3A_43 = vector.broadcast %broadcast_in_dim3A : vector<1x1024xf32> to vector<2304x1024xf32>
    %add3A_44 = arith.addf %add3A, %add3A_43 : vector<2304x1024xf32>
    %mul3A_45 = arith.constant 2.000000e+00 : f32
    %mul3A_46 = vector.broadcast %mul3A_45 : f32 to vector<2304x1024xf32>
    %mul3A_47 = arith.mulf %mul3A_46, %concatenate3A : vector<2304x1024xf32>
    %sub3A = arith.subf %add3A_44, %mul3A_47 : vector<2304x1024xf32>
    %max3A = arith.constant 0.000000e+00 : f32
    %max3A_48 = vector.broadcast %max3A : f32 to vector<2304x1024xf32>
    %max3A_49 = arith.maximumf %sub3A, %max3A_48 : vector<2304x1024xf32>
    %sqrt3A = math.sqrt %max3A_49 : vector<2304x1024xf32>
    %reduce_min3A = arith.constant dense<0x7F800000> : vector<2304xf32>
    %reduce_min3A_50 = vector.multi_reduction <minimumf>, %sqrt3A, %reduce_min3A [1] : vector<2304x1024xf32> to vector<2304xf32>
    %broadcast_in_dim3A_51 = vector.shape_cast %reduce_min3A_50 : vector<2304xf32> to vector<2304x1xf32>
    %iota3A = tpu.iota {dimensions = array<i32: 1>} : vector<2304x1024xi32>
    %eq3A = vector.broadcast %broadcast_in_dim3A_51 : vector<2304x1xf32> to vector<2304x1024xf32>
    %eq3A_52 = arith.cmpf oeq, %sqrt3A, %eq3A : vector<2304x1024xf32>
    %jit3A = arith.constant 1024 : i32
    %broadcast_in_dim3A_53 = vector.broadcast %jit3A : i32 to vector<2304x1024xi32>
    %select_n3A = arith.select %eq3A_52, %iota3A, %broadcast_in_dim3A_53 : vector<2304x1024xi1>, vector<2304x1024xi32>
    %reduce_min3A_54 = arith.constant dense<2147483647> : vector<2304xi32>
    %reduce_min3A_55 = vector.multi_reduction <minsi>, %select_n3A, %reduce_min3A_54 [1] : vector<2304x1024xi32> to vector<2304xi32>
    %mul3A_56 = arith.constant 2304 : i32
    %mul3A_57 = arith.muli %arg0, %mul3A_56 : i32
    %swap3A = arith.index_cast %mul3A_57 : i32 to index
    %swap3A_58 = vector.load %arg3[%swap3A] : memref<9216xi32, #tpu.memory_space<vmem>>, vector<2304xi32>
    tpu.vector_store %arg3[%swap3A], %reduce_min3A_55 {strides = array<i32>} : memref<9216xi32, #tpu.memory_space<vmem>>, vector<2304xi32>,
    %reshape3A_59 = vector.shape_cast %reduce_min3A_55 : vector<2304xi32> to vector<8x3x96xi32>
    %swap3A_60 = arith.constant 0 : index
    %swap3A_61 = arith.constant 0 : index
    %swap3A_62 = arith.constant 0 : index
    %swap3A_63 = vector.load %arg4[%swap3A_60, %swap3A_61, %swap3A_62] : memref<8x3x96xi32, #tpu.memory_space<vmem>>, vector<8x3x96xi32>
    tpu.vector_store %arg4[%swap3A_60, %swap3A_61, %swap3A_62], %reshape3A_59 {strides = array<i32>} : memref<8x3x96xi32, #tpu.memory_space<vmem>>, vector<8x3x96xi32>,
    %sub3A_64 = vector.broadcast %broadcast_in_dim3A_51 : vector<2304x1xf32> to vector<2304x1024xf32>
    %sub3A_65 = arith.subf %sub3A_64, %sqrt3A : vector<2304x1024xf32>
    %exp3A = math.exp %sub3A_65 : vector<2304x1024xf32>
    %reduce_sum3A_66 = arith.constant dense<0.000000e+00> : vector<2304xf32>
    %reduce_sum3A_67 = vector.multi_reduction <add>, %exp3A, %reduce_sum3A_66 [1] : vector<2304x1024xf32> to vector<2304xf32>
    %broadcast_in_dim3A_68 = vector.shape_cast %reduce_sum3A_67 : vector<2304xf32> to vector<2304x1xf32>
    %mul3A_69 = arith.mulf %exp3A, %sub3A_65 : vector<2304x1024xf32>
    %reduce_sum3A_70 = arith.constant dense<0.000000e+00> : vector<2304xf32>
    %reduce_sum3A_71 = vector.multi_reduction <add>, %mul3A_69, %reduce_sum3A_70 [1] : vector<2304x1024xf32> to vector<2304xf32>
    %broadcast_in_dim3A_72 = vector.shape_cast %reduce_sum3A_71 : vector<2304xf32> to vector<2304x1xf32>
    %div3A = arith.divf %broadcast_in_dim3A_72, %broadcast_in_dim3A_68 : vector<2304x1xf32>
    %log3A = math.log %broadcast_in_dim3A_68 : vector<2304x1xf32>
    %sub3A_73 = arith.subf %div3A, %log3A : vector<2304x1xf32>
    %reduce_sum3A_74 = vector.shape_cast %sub3A_73 : vector<2304x1xf32> to vector<1x2304x1xf32>
    %reduce_sum3A_75 = arith.constant dense<0.000000e+00> : vector<1xf32>
    %reduce_sum3A_76 = vector.multi_reduction <add>, %reduce_sum3A_74, %reduce_sum3A_75 [1, 2] : vector<1x2304x1xf32> to vector<1xf32>
    %reduce_sum3A_77 = vector.shape_cast %reduce_sum3A_76 : vector<1xf32> to vector<1x1x1xf32>
    %reduce_sum3A_78 = vector.extract %reduce_sum3A_77[0, 0, 0] : f32 from vector<1x1x1xf32>
    %mul3A_79 = arith.mulf %broadcast_in_dim3A_51, %broadcast_in_dim3A_51 : vector<2304x1xf32>
    %reduce_sum3A_80 = vector.shape_cast %mul3A_79 : vector<2304x1xf32> to vector<1x2304x1xf32>
    %reduce_sum3A_81 = arith.constant dense<0.000000e+00> : vector<1xf32>
    %reduce_sum3A_82 = vector.multi_reduction <add>, %reduce_sum3A_80, %reduce_sum3A_81 [1, 2] : vector<1x2304x1xf32> to vector<1xf32>
    %reduce_sum3A_83 = vector.shape_cast %reduce_sum3A_82 : vector<1xf32> to vector<1x1x1xf32>
    %reduce_sum3A_84 = vector.extract %reduce_sum3A_83[0, 0, 0] : f32 from vector<1x1x1xf32>
    %div3A_85 = arith.constant 1.000000e+00 : f32
    %div3A_86 = vector.broadcast %div3A_85 : f32 to vector<2304x1xf32>
    %div3A_87 = arith.divf %div3A_86, %broadcast_in_dim3A_68 : vector<2304x1xf32>
    %mul3A_88 = vector.broadcast %div3A_87 : vector<2304x1xf32> to vector<2304x1024xf32>
    %mul3A_89 = arith.mulf %exp3A, %mul3A_88 : vector<2304x1024xf32>
    %reduce_sum3A_90 = arith.constant dense<0.000000e+00> : vector<1024xf32>
    %reduce_sum3A_91 = vector.multi_reduction <add>, %mul3A_89, %reduce_sum3A_90 [0] : vector<2304x1024xf32> to vector<1024xf32>
    %broadcast_in_dim3A_92 = vector.shape_cast %reduce_sum3A_91 : vector<1024xf32> to vector<1x1024xf32>
    %eq3A_93 = arith.constant 0 : i32
    %eq3A_94 = arith.cmpi eq, %arg0, %eq3A_93 : i32
    %convert_element_type3A = arith.extui %eq3A_94 : i1 to i32
    %cond3A = arith.constant 0 : i32
    %cond3A_95 = arith.cmpi ne, %convert_element_type3A, %cond3A : i32
    scf.if %cond3A_95 {
      %transpose3A = tpu.transpose %get3A_1, [1, 0] : vector<64x1024xf32> -> vector<1024x64xf32>
      %swap3A_118 = arith.constant 0 : index
      %swap3A_119 = arith.constant 0 : index
      %swap3A_120 = vector.load %arg6[%swap3A_118, %swap3A_119] : memref<1024x128xf32, #tpu.memory_space<vmem>>, vector<1024x64xf32>
      tpu.vector_store %arg6[%swap3A_118, %swap3A_119], %transpose3A {strides = array<i32>} : memref<1024x128xf32, #tpu.memory_space<vmem>>, vector<1024x64xf32>,
      %broadcast_in_dim3A_121 = arith.constant 0.000000e+00 : f32
      %broadcast_in_dim3A_122 = vector.broadcast %broadcast_in_dim3A_121 : f32 to vector<1024x64xf32>
      %swap3A_123 = arith.constant 0 : index
      %swap3A_124 = arith.constant 64 : index
      %swap3A_125 = vector.load %arg6[%swap3A_123, %swap3A_124] : memref<1024x128xf32, #tpu.memory_space<vmem>>, vector<1024x64xf32>
      tpu.vector_store %arg6[%swap3A_123, %swap3A_124], %broadcast_in_dim3A_122 {strides = array<i32>} : memref<1024x128xf32, #tpu.memory_space<vmem>>, vector<1024x64xf32>,
      %broadcast_in_dim3A_126 = arith.constant 0.000000e+00 : f32
      %broadcast_in_dim3A_127 = vector.broadcast %broadcast_in_dim3A_126 : f32 to vector<1x1024xf32>
      %swap3A_128 = arith.constant 0 : index
      %swap3A_129 = arith.constant 0 : index
      %swap3A_130 = vector.load %arg7[%swap3A_128, %swap3A_129] : memref<1x1024xf32, #tpu.memory_space<vmem>>, vector<1x1024xf32>
      tpu.vector_store %arg7[%swap3A_128, %swap3A_129], %broadcast_in_dim3A_127 {strides = array<i32>} : memref<1x1024xf32, #tpu.memory_space<vmem>>, vector<1x1024xf32>,
      %swap3A_131 = arith.constant 0.000000e+00 : f32
      %swap3A_132 = arith.constant 0 : index
      %swap3A_133 = memref.load %arg8[%swap3A_132] : memref<2xf32, #tpu.memory_space<smem>>
      memref.store %swap3A_131, %arg8[%swap3A_132] : memref<2xf32, #tpu.memory_space<smem>>
      %swap3A_134 = arith.constant 0.000000e+00 : f32
      %swap3A_135 = arith.constant 1 : index
      %swap3A_136 = memref.load %arg8[%swap3A_135] : memref<2xf32, #tpu.memory_space<smem>>
      memref.store %swap3A_134, %arg8[%swap3A_135] : memref<2xf32, #tpu.memory_space<smem>>
    } else {
    }
    %get3A_96 = arith.constant 0 : index
    %get3A_97 = arith.constant 0 : index
    %get3A_98 = vector.load %arg7[%get3A_96, %get3A_97] : memref<1x1024xf32, #tpu.memory_space<vmem>>, vector<1x1024xf32>
    %add3A_99 = arith.addf %get3A_98, %broadcast_in_dim3A_92 : vector<1x1024xf32>
    %swap3A_100 = arith.constant 0 : index
    %swap3A_101 = arith.constant 0 : index
    %swap3A_102 = vector.load %arg7[%swap3A_100, %swap3A_101] : memref<1x1024xf32, #tpu.memory_space<vmem>>, vector<1x1024xf32>
    tpu.vector_store %arg7[%swap3A_100, %swap3A_101], %add3A_99 {strides = array<i32>} : memref<1x1024xf32, #tpu.memory_space<vmem>>, vector<1x1024xf32>,
    %get3A_103 = arith.constant 0 : index
    %get3A_104 = memref.load %arg8[%get3A_103] : memref<2xf32, #tpu.memory_space<smem>>
    %add3A_105 = arith.addf %get3A_104, %reduce_sum3A_84 : f32
    %swap3A_106 = arith.constant 0 : index
    %swap3A_107 = memref.load %arg8[%swap3A_106] : memref<2xf32, #tpu.memory_space<smem>>
    memref.store %add3A_105, %arg8[%swap3A_106] : memref<2xf32, #tpu.memory_space<smem>>
    %get3A_108 = arith.constant 1 : index
    %get3A_109 = memref.load %arg8[%get3A_108] : memref<2xf32, #tpu.memory_space<smem>>
    %add3A_110 = arith.addf %get3A_109, %reduce_sum3A_78 : f32
    %swap3A_111 = arith.constant 1 : index
    %swap3A_112 = memref.load %arg8[%swap3A_111] : memref<2xf32, #tpu.memory_space<smem>>
    memref.store %add3A_110, %arg8[%swap3A_111] : memref<2xf32, #tpu.memory_space<smem>>
    %eq3A_113 = arith.constant 3 : i32
    %eq3A_114 = arith.cmpi eq, %arg0, %eq3A_113 : i32
    %convert_element_type3A_115 = arith.extui %eq3A_114 : i1 to i32
    %cond3A_116 = arith.constant 0 : i32
    %cond3A_117 = arith.cmpi ne, %convert_element_type3A_115, %cond3A_116 : i32
    scf.if %cond3A_117 {
      %get3A_118 = arith.constant 0 : index
      %get3A_119 = arith.constant 0 : index
      %get3A_120 = vector.load %arg7[%get3A_118, %get3A_119] : memref<1x1024xf32, #tpu.memory_space<vmem>>, vector<1x1024xf32>
      %div3A_121 = arith.constant 9.216000e+03 : f32
      %div3A_122 = vector.broadcast %div3A_121 : f32 to vector<1x1024xf32>
      %div3A_123 = arith.divf %get3A_120, %div3A_122 : vector<1x1024xf32>
      %add3A_124 = arith.constant 9.99999974E-6 : f32
      %add3A_125 = vector.broadcast %add3A_124 : f32 to vector<1x1024xf32>
      %add3A_126 = arith.addf %div3A_123, %add3A_125 : vector<1x1024xf32>
      %log3A_127 = math.log %add3A_126 : vector<1x1024xf32>
      %mul3A_128 = arith.mulf %div3A_123, %log3A_127 : vector<1x1024xf32>
      %reduce_sum3A_129 = vector.shape_cast %mul3A_128 : vector<1x1024xf32> to vector<1x1x1024xf32>
      %reduce_sum3A_130 = arith.constant dense<0.000000e+00> : vector<1xf32>
      %reduce_sum3A_131 = vector.multi_reduction <add>, %reduce_sum3A_129, %reduce_sum3A_130 [1, 2] : vector<1x1x1024xf32> to vector<1xf32>
      %reduce_sum3A_132 = vector.shape_cast %reduce_sum3A_131 : vector<1xf32> to vector<1x1x1xf32>
      %reduce_sum3A_133 = vector.extract %reduce_sum3A_132[0, 0, 0] : f32 from vector<1x1x1xf32>
      %neg3A = arith.constant 0.000000e+00 : f32
      %neg3A_134 = arith.subf %neg3A, %reduce_sum3A_133 : f32
      %get3A_135 = arith.constant 1 : index
      %get3A_136 = memref.load %arg8[%get3A_135] : memref<2xf32, #tpu.memory_space<smem>>
      %div3A_137 = arith.constant 9.216000e+03 : f32
      %div3A_138 = arith.divf %get3A_136, %div3A_137 : f32
      %neg3A_139 = arith.constant 0.000000e+00 : f32
      %neg3A_140 = arith.subf %neg3A_139, %div3A_138 : f32
      %get3A_141 = arith.constant 0 : index
      %get3A_142 = memref.load %arg8[%get3A_141] : memref<2xf32, #tpu.memory_space<smem>>
      %div3A_143 = arith.constant 5.898240e+05 : f32
      %div3A_144 = arith.divf %get3A_142, %div3A_143 : f32
      %mul3A_145 = arith.constant 1.250000e+00 : f32
      %mul3A_146 = arith.mulf %mul3A_145, %div3A_144 : f32
      %sub3A_147 = arith.subf %neg3A_140, %neg3A_134 : f32
      %mul3A_148 = arith.constant 1.000000e-01 : f32
      %mul3A_149 = arith.mulf %mul3A_148, %sub3A_147 : f32
      %add3A_150 = arith.addf %mul3A_146, %mul3A_149 : f32
      %broadcast_in_dim3A_151 = vector.broadcast %add3A_150 : f32 to vector<1x128xf32>
      %swap3A_152 = arith.constant 0 : index
      %swap3A_153 = arith.constant 0 : index
      %swap3A_154 = vector.load %arg5[%swap3A_152, %swap3A_153] : memref<1x128xf32, #tpu.memory_space<vmem>>, vector<1x128xf32>
      tpu.vector_store %arg5[%swap3A_152, %swap3A_153], %broadcast_in_dim3A_151 {strides = array<i32>} : memref<1x128xf32, #tpu.memory_space<vmem>>, vector<1x128xf32>,
    } else {
    }
    return
  }
  func.func @transform_0(%arg0: i32) -> (i32, i32, i32) {
    %c0_i32 = arith.constant 0 : i32
    %c0_i32_0 = arith.constant 0 : i32
    %c0_i32_1 = arith.constant 0 : i32
    return %arg0, %c0_i32, %c0_i32_0 : i32, i32, i32
  }
  func.func @transform_1(%arg0: i32) -> (i32, i32) {
    %c0_i32 = arith.constant 0 : i32
    %c0_i32_0 = arith.constant 0 : i32
    %c0_i32_1 = arith.constant 0 : i32
    return %c0_i32, %c0_i32_0 : i32, i32
  }
  func.func @transform_2(%arg0: i32) -> i32 {
    %c0_i32 = arith.constant 0 : i32
    %c0_i32_0 = arith.constant 0 : i32
    return %c0_i32 : i32
  }
  func.func @transform_3(%arg0: i32) -> (i32, i32, i32) {
    %c0_i32 = arith.constant 0 : i32
    %c0_i32_0 = arith.constant 0 : i32
    %c0_i32_1 = arith.constant 0 : i32
    return %arg0, %c0_i32, %c0_i32_0 : i32, i32, i32
  }
  func.func @transform_4(%arg0: i32) -> (i32, i32) {
    %c0_i32 = arith.constant 0 : i32
    %c0_i32_0 = arith.constant 0 : i32
    %c0_i32_1 = arith.constant 0 : i32
    return %c0_i32, %c0_i32_0 : i32, i32
  }
  func.func @transform_5(%arg0: i32) -> (i32, i32) {
    %c0_i32 = arith.constant 0 : i32
    %c0_i32_0 = arith.constant 0 : i32
    %c0_i32_1 = arith.constant 0 : i32
    return %c0_i32, %c0_i32_0 : i32, i32
  }
}

</mosaic_0001>

<sc_bundles>
// kernel: kernel.4.cloned.1.call-start
scs
__scs_entry_jumppad:
0x0: {  	(pc) =	sbr.rel $0x88, $3  }
0x1: {  	(tag) =	ssettag $0x0;
	lr =	simm.s32 $0x1  }
0x2: {  	[smem:$0x3F9F] =	sst lr;
	_ =	strace $0xD0000000  }
0x3: {  	_ = 	snop  }
0x4: {  	_ = 	snop  }
0x5: {  	_ = 	snop  }
0x6: {  	_ = 	snop  }
0x7: {  	_ = 	snop  }
__scs_overlays_trampoline_lowered:
0x8: {  	[smem:$0x3FAE] =	sst s0  }
0x9: {  	[smem:$0x3FAF] =	sst s1  }
0xa: {  	[smem:$0x3FB0] =	sst s2  }
0xb: {  	[smem:$0x3FB1] =	sst s3  }
0xc: {  	[smem:$0x3FB2] =	sst s4  }
0xd: {  	[smem:$0x3FB3] =	sst s5  }
0xe: {  	[smem:$0x3FB4] =	sst s6  }
0xf: {  	[smem:$0x3FB5] =	sst s7  }
0x10: {  	[smem:$0x3FB6] =	sst s8  }
0x11: {  	[smem:$0x3FB7] =	sst s9;
	s0 =	simm.s32 @!p0 $0x0  }
0x12: {  	s1 =	sld [smem:$0x3F9D];
	s0 =	simm.s32 @p0 $0x1  }
0x13: {  	[smem:$0x3FB8] =	sst s0;
	s0 =	simm.s32 @!p1 $0x0  }
0x14: {  	s2 =	sld [smem:$0x3F9C];
	s0 =	simm.s32 @p1 $0x1  }
0x15: {  	[smem:$0x3FB9] =	sst s0;
	s0 =	simm.s32 @!p2 $0x0  }
0x16: {  	s3 =	sld [smem:$0x3FDB];
	s0 =	simm.s32 @p2 $0x1  }
0x17: {  	s4 =	simm.s32 $0x1BF5;
	[smem:$0x3FBB] =	sst s0  }
0x18: {  	s0 =	sld [smem:$0x3F9E];
	_ =	swait.ge [sflag:s4], $0x0  }
0x19: {  	s7 =	sld [smem:$0x3F9F]  }
0x1a: {  	s8 =	sadd.s32 $0xFFFFE003, lr  }
0x1b: {  	s9 =	sadd.s32 $0xFFFFFEF7, lr;
	s5 =	simm.s32 $0xFFFFFFFF;
	p2 =	slt.u32 s8, $0xFFFFF086  }
0x1c: {  	p1 =	slt.u32 s9, $0xF7A;
	s5 =	simm.s32 @!p2 $0x0  }
0x1d: {  	s5 =	simm.s32 @p1 $0x1;
	p0 =	seq.s32 s7, s2  }
0x1e: {  	s7 =	smul.u32 @!p0 $0xF7A, s2;
	p2 =	seq.s32 @!p0 s5, $0x0  }
0x1f: {  	s9 =	smul.u32 $0xF7A, s1;
	s8 =	simm.s32 @!p0 $0x1BF5;
	p2 =	por !p2, p0  }
0x20: {  	[sflag:s8] =	ssyncset.s32 @!p0 $0xFFFFF086;
	s6 =	sadd.s32 @!p0 s3, s7;
	s7 =	simm.s32 @!p0 $0x108  }
0x21: {  	s3 =	sadd.s32 s3, s9;
	s6 =	sadd.s32 @!p0 $0x88, s6;
	s7 =	simm.s32 @p2 $0x1082  }
0x22: {  	[simem:s7], [sflag:s8] =	dma.local @!p0 [hbm:s6], $0xF7A  }
0x23: {  	s9 =	sor.u32 $0xD0000000, s2;
	s6 =	simm.s32 $0x108;
	_ =	swait.ge @!p0 [sflag:s8], $0x0  }
0x24: {  	s3 =	sadd.s32 $0x88, s3;
	s6 =	simm.s32 @!p1 $0x1082;
	[sflag:s4] =	ssyncset.s32 $0xFFFFF086  }
0x25: {  	[simem:s6], [sflag:s4] =	dma.local [hbm:s3], $0xF7A  }
0x26: {  	[smem:$0x3F9F] =	sst s1;
	(tag) =	ssettag s2;
	_ =	strace s9  }
0x27: {  	s1 =	sld [smem:$0x3FAF]  }
0x28: {  	s2 =	sld [smem:$0x3FB0]  }
0x29: {  	s4 =	sld [smem:$0x3FB2]  }
0x2a: {  	p0 =	seq.s32 s5, $0x0;
	s5 =	sld [smem:$0x3FB3]  }
0x2b: {  	s6 =	sld [smem:$0x3FB4]  }
0x2c: {  	s7 =	sld [smem:$0x3FB5]  }
0x2d: {  	s3 =	simm.s32 $0x108;
	s8 =	sld [smem:$0x3FB6]  }
0x2e: {  	s3 =	simm.s32 @!p0 $0x1082;
	s9 =	sld [smem:$0x3FB7]  }
0x2f: {  	lr =	sadd.s32 s0, s3;
	s0 =	sld [smem:$0x3FAE]  }
0x30: {  	s3 =	sld [smem:$0x3FB1]  }
0x31: {  	[smem:$0x3FBA] =	sst s10  }
0x32: {  	s10 =	sld [smem:$0x3FB8];
	_ =	sdelay $0x3  }
0x33: {  	p0 =	seq.s32 s10, $0x1;
	s10 =	sld [smem:$0x3FBA];
	_ =	sdelay $0x3  }
0x34: {  	[smem:$0x3FBA] =	sst s10  }
0x35: {  	s10 =	sld [smem:$0x3FB9];
	_ =	sdelay $0x3  }
0x36: {  	p1 =	seq.s32 s10, $0x1;
	s10 =	sld [smem:$0x3FBA];
	_ =	sdelay $0x3  }
0x37: {  	[smem:$0x3FBA] =	sst s10  }
0x38: {  	s10 =	sld [smem:$0x3FBB]  }
0x39: {  	_ = 	snop;
	(pc) =	sbr.ind lr, $3  }
0x3a: {  	_ = 	snop  }
0x3b: {  	_ = 	snop  }
0x3c: {  	p2 =	seq.s32 s10, $0x1;
	s10 =	sld [smem:$0x3FBA]  }
0x3d: {  	_ =	shalt  }
0x3e: {  	_ =	shalt  }
0x3f: {  	_ =	shalt  }
0x40: {  	_ =	shalt  }
0x41: {  	_ =	shalt  }
0x42: {  	_ =	shalt  }
0x43: {  	_ =	shalt  }
0x44: {  	_ =	shalt  }
0x45: {  	_ =	shalt  }
0x46: {  	_ =	shalt  }
0x47: {  	_ =	shalt  }
0x48: {  	_ =	shalt  }
0x49: {  	_ =	shalt  }
0x4a: {  	_ =	shalt  }
0x4b: {  	_ =	shalt  }
0x4c: {  	_ =	shalt  }
0x4d: {  	_ =	shalt  }
0x4e: {  	_ =	shalt  }
0x4f: {  	_ =	shalt  }
0x50: {  	_ =	shalt  }
0x51: {  	_ =	shalt  }
0x52: {  	_ =	shalt  }
0x53: {  	_ =	shalt  }
0x54: {  	_ =	shalt  }
0x55: {  	_ =	shalt  }
0x56: {  	_ =	shalt  }
0x57: {  	_ =	shalt  }
0x58: {  	_ =	shalt  }
0x59: {  	_ =	shalt  }
0x5a: {  	_ =	shalt  }
0x5b: {  	_ =	shalt  }
0x5c: {  	_ =	shalt  }
0x5d: {  	_ =	shalt  }
0x5e: {  	_ =	shalt  }
0x5f: {  	_ =	shalt  }
0x60: {  	_ =	shalt  }
0x61: {  	_ =	shalt  }
0x62: {  	_ =	shalt  }
0x63: {  	_ =	shalt  }
0x64: {  	_ =	shalt  }
0x65: {  	_ =	shalt  }
0x66: {  	_ =	shalt  }
0x67: {  	_ =	shalt  }
0x68: {  	_ =	shalt  }
0x69: {  	_ =	shalt  }
0x6a: {  	_ =	shalt  }
0x6b: {  	_ =	shalt  }
0x6c: {  	_ =	shalt  }
0x6d: {  	_ =	shalt  }
0x6e: {  	_ =	shalt  }
0x6f: {  	_ =	shalt  }
0x70: {  	_ =	shalt  }
0x71: {  	_ =	shalt  }
0x72: {  	_ =	shalt  }
0x73: {  	_ =	shalt  }
0x74: {  	_ =	shalt  }
0x75: {  	_ =	shalt  }
0x76: {  	_ =	shalt  }
0x77: {  	_ =	shalt  }
0x78: {  	_ =	shalt  }
0x79: {  	_ =	shalt  }
0x7a: {  	_ =	shalt  }
0x7b: {  	_ =	shalt  }
0x7c: {  	_ =	shalt  }
0x7d: {  	_ =	shalt  }
0x7e: {  	_ =	shalt  }
0x7f: {  	_ =	shalt  }
0x80: {  	_ =	shalt  }
0x81: {  	_ =	shalt  }
0x82: {  	_ =	shalt  }
0x83: {  	_ =	shalt  }
0x84: {  	_ =	shalt  }
0x85: {  	_ =	shalt  }
0x86: {  	_ =	shalt  }
0x87: {  	_ =	shalt  }
.Lfunc_end0:
.L_simem_size_0:
called_computation_lowered:
.L_overlay_start_0:
0x88: {  	s2 =	sld [smem:$0x3FD9]  }
0x89: {  	s3 =	sld [smem:$0x3FFE];
	_ =	sdelay $0x1  }
0x8a: {  	s1 =	srdreg.scid  }
0x8b: {  	s0 =	sand.u32 $0x1, s1  }
0x8c: {  	s14 =	sshll.u32 s0, $0xA;
	s2 =	sadd.s32 s3, s2  }
0x8d: {  	s2 =	sadd.s32 s2, s14  }
0x8e: {  	[smem:$0x3FC6] =	sst s2  }
0x8f: {  	_ = 	snop  }
0x90: {  	s2 =	sld [smem:$0x3FD0];
	_ =	sdelay $0x2  }
0x91: {  	s15 =	simm.s32 $0xA;
	s4 =	simm.s32 $0x10  }
0x92: {  	[smem:s4], [sflag:s15] =	dma.local [hbm:s2], $0x1  }
0x93: {  	_ =	swait.eq [sflag:s15], $0x1  }
0x94: {  	[sflag:s15] =	ssyncset.done $0x0  }
0x95: {  	[sflag:s15] =	ssyncadd.s32 $0xFFFFFFFF  }
0x96: {  	s16 =	sld [smem:$0x10];
	(tm) =	ssettm $0x1  }
0x97: {  	s17 =	sld [smem:$0x3FFB];
	_ =	sdelay $0x3  }
0x98: {  	_ =	strace s17  }
0x99: {  	s3 =	sld [smem:$0x3FFC];
	_ =	sdelay $0x3  }
0x9a: {  	_ =	strace s3  }
0x9b: {  	s3 =	sld [smem:$0x3FFD];
	_ =	sdelay $0x3  }
0x9c: {  	_ =	strace s3  }
0x9d: {  	_ =	strace $0x8FFFFFFF  }
0x9e: {  	s18 =	sld [smem:$0x3FDB];
	_ =	sdelay $0x1  }
0x9f: {  	s19 =	simm.s32 $_scs_section_size  }
0xa0: {  	s5 =	simm.s32 $_size__tile_overlayer_lowered;
	s6 =	simm.s32 $_tile_overlayer_lowered  }
0xa1: {  	s22 =	simm.s32 $0x1BFF;
	s21 =	sshll.u32 s6, $0x1;
	s3 =	sadd.s32 s19, s18  }
0xa2: {  	s7 =	simm.s32 $0x0;
	s20 =	sshll.u32 s5, $0x1;
	s5 =	sadd.s32 s21, s3  }
0xa3: {  	[timem:s7], [sflag:s22] =	dma.local [hbm:s5], s20  }
0xa4: {  	_ =	swait.ge [sflag:s22], s20  }
0xa5: {  	s4 =	ssub.s32 $0x0, s20;
	[sflag:s22] =	ssyncset.done $0x0  }
0xa6: {  	[sflag:s22] =	ssyncadd.s32 s4;
	_ =	sdelay $0x1  }
0xa7: {  	s23 =	simm.s32 $0x1B8B  }
0xa8: {  	_ =	swait.ge [sflag:s23], $0x1  }
0xa9: {  	[sflag:s23] =	ssyncset.done $0x0  }
0xaa: {  	s25 =	simm.s32 $0x1B8E;
	s24 =	sld [smem:$0x3FFE];
	[sflag:s23] =	ssyncadd.s32 $0xFFFFFFFF  }
0xab: {  	s26 =	simm.s32 $execute0_lowered;
	[smem:$0x3FD2] =	sst s25  }
0xac: {  	s5 =	sshll.u32 s26, $0x1;
	_ =	strace $0x80000046;
	[dreg:$0x1] =	wrdreg $0xFFFFFFFF  }
0xad: {  	s28 =	simm.s32 $_size_execute0_lowered;
	s3 =	sadd.s32 s3, s5;
	[dreg:$0x0] =	wrdreg $0x0  }
0xae: {  	s5 =	sshll.u32 s28, $0x1;
	[dreg:$0x2] =	wrdreg s3  }
0xaf: {  	[dreg:$0x3] =	wrdreg s5  }
0xb0: {  	[dreg:$0x4] =	wrdreg $0xC0  }
0xb1: {  	_ =	task [dreg:s7], $0x5FFFF  }
0xb2: {  	[dreg:$0x1] =	wrdreg $0xFFFFFFFF  }
0xb3: {  	[dreg:$0x0] =	wrdreg $0x60  }
0xb4: {  	[dreg:$0x2] =	wrdreg s16  }
0xb5: {  	[dreg:$0x3] =	wrdreg s24  }
0xb6: {  	[dreg:$0x4] =	wrdreg $0x9  }
0xb7: {  	_ =	task.clear_ibuf [dreg:s7], $0x5FFFF;
	_ =	strace $0x90000046  }
0xb8: {  	s29 =	simm.s32 $0x9;
	_ =	strace $0x80000048  }
0xb9: {  	_ =	swait.ge [sflag:s29], $0x1  }
0xba: {  	[sflag:s29] =	ssyncadd.s32 $0xFFFFFFFF  }
0xbb: {  	_ =	strace $0x90000048  }
0xbc: {  	_ =	sfence  }
0xbd: {  	s30 =	sld [smem:$0x0];
	_ =	sdelay $0x2  }
0xbe: {  	s31 =	sshll.u32 s1, $0xD;
	s1 =	sshrl.u32 s1, $0x2  }
0xbf: {  	s3 =	sand.u32 $0x4000, s31;
	s1 =	sadd.s32 s1, s30  }
0xc0: {  	s0 =	sor.u32 s3, s0;
	s1 =	sshll.u32 s1, $0x11  }
0xc1: {  	s0 =	sor.u32 s1, s0  }
0xc2: {  	s0 =	sadd.s32 $0x8F2B, s0  }
0xc3: {  	[sflag:s0] =	ssyncadd.remote.s32 $0x1  }
0xc4: {  	_ =	sfence.sel $0xFFFF  }
0xc5: {  	[dreg:$0x0] =	wrdreg $0xFFFFFFFF;
	(pc) =	sbr.abs _section_cstart, $3  }
0xc6: {  	[dreg:$0x1] =	wrdreg $0xFFFFFFFF  }
0xc7: {  	_ =	task.clear_ibuf [dreg:s7], $0x2FFFF;
	_ =	strace $0x9FFFFFFF  }
0xc8: {  	(tm) =	ssettm $0x7FFFFFFF  }
0xc9: {  	_ =	shalt  }
tec
execute0_lowered:
.L_overlay_start_1:
0x0: {  	(tag) =	ssettag $0x1  }
0x1: {  	s1 =	srdreg.scid;
	s0 =	stileid.u32  }
0x2: {  	s19 =	sand.u32 $0x1, s1;
	s30 =	sshll.u32 s0, $0x1  }
0x3: {  	s2 =	rddreg [dreg:$0x0];
	s14 =	sor.u32 s19, s30  }
0x4: {  	s13 =	rddreg [dreg:$0x1];
	s3 =	simm.s32 $0x0;
	s4 =	sshll.u32 s14, $0x6  }
0x5: {  	s5 =	simm.s32 $0x5;
	[smem:$0x7FF] =	sst s3;
	s4 =	sadd.s32 s4, s13  }
0x6: {  	s1 =	rddreg [dreg:$0x2];
	_ =	strace $0x80000047;
	s4 =	sadd.s32 $0xE00, s4  }
0x7: {  	[tilespmem:s3], [sflag:$0x5] =	stream.linear.gather [hbm4b:s4+s3], $0x180, $0x38;
	[tilespmem:$0x9200] =	vst v63  }
0x8: {  	_ =	swait.ge [sflag:s5], $0x180  }
0x9: {  	[sflag:s5] =	ssyncset.done $0x0  }
0xa: {  	s6 =	simm.s32 $0x60;
	s7 =	simm.s32 $0x200;
	[sflag:s5] =	ssyncadd.s32 $0xFFFFFE80  }
0xb: {  	[tilespmem:s7], [sflag:$0x1] =	stream.indirect.gather [hbm4b:s2+s6], $0x80, s3, s6, $0xb8;
	[tilespmem:$0x9200] =	vst v63  }
0xc: {  	s8 =	simm.s32 $0x80;
	s9 =	simm.s32 $0x3200  }
0xd: {  	[tilespmem:s9], [sflag:$0x2] =	stream.indirect.gather [hbm4b:s2+s6], $0x80, s8, s6, $0xb8;
	[tilespmem:$0x9200] =	vst v63  }
0xe: {  	s10 =	simm.s32 $0x100;
	s11 =	simm.s32 $0x6200;
	s12 =	simm.s32 $0x1  }
0xf: {  	[tilespmem:s11], [sflag:$0x3] =	stream.indirect.gather [hbm4b:s2+s6], $0x80, s10, s6, $0xb8;
	[tilespmem:$0x9200] =	vst v63  }
0x10: {  	s15 =	smul.u32 $0x1200, s14;
	_ =	swait.ge [sflag:s12], $0x3000  }
0x11: {  	s16 =	sadd.s32 $0x1600, s13;
	s31 =	smul.u32 $0x9000, s14;
	[sflag:s12] =	ssyncset.done $0x0  }
0x12: {  	s14 =	simm.s32 $0x2;
	s13 =	sadd.s32 s16, s15;
	[sflag:s12] =	ssyncadd.s32 $0xFFFFD000  }
0x13: {  	[hbm4b:s13+s3] =	stream.linear.scatter [tilespmem:s7], [sflag:$0x4], $0x3000, $0x38;
	[tilespmem:$0x9200] =	vst v63  }
0x14: {  	s15 =	sshrl.u32 s31, $0x3;
	_ =	swait.ge [sflag:s14], $0x3000  }
0x15: {  	s17 =	sadd.s32 s16, s15;
	[sflag:s14] =	ssyncset.done $0x0  }
0x16: {  	s16 =	simm.s32 $0x3;
	s15 =	sadd.s32 $0x600, s17;
	[sflag:s14] =	ssyncadd.s32 $0xFFFFD000  }
0x17: {  	[hbm4b:s15+s3] =	stream.linear.scatter [tilespmem:s9], [sflag:$0x4], $0x3000, $0x38;
	[tilespmem:$0x9200] =	vst v63  }
0x18: {  	s19 =	ssub.s32 $0x2, s19;
	_ =	swait.ge [sflag:s16], $0x3000  }
0x19: {  	s20 =	sshrl.u32 s19, $0x1;
	[sflag:s16] =	ssyncset.done $0x0  }
0x1a: {  	s18 =	sadd.s32 $0xC00, s17;
	s17 =	simm.s32 $0x4;
	[sflag:s16] =	ssyncadd.s32 $0xFFFFD000  }
0x1b: {  	[hbm4b:s18+s3] =	stream.linear.scatter [tilespmem:s11], [sflag:$0x4], $0x3000, $0x38;
	[tilespmem:$0x9200] =	vst v63  }
0x1c: {  	s19 =	ssub.s32 s19, s20;
	_ =	swait.ge [sflag:s17], $0x3000  }
0x1d: {  	s19 =	smax.u32 s19, $0x1;
	[sflag:s17] =	ssyncset.done $0x0  }
0x1e: {  	p0 =	sne.s32 s19, $0x1;
	[sflag:s17] =	ssyncadd.s32 $0xFFFFD000  }
.Ltmp0:
0x1f: {  	_ =	swait.ge [sflag:s17], $0x3000;
	(pc) =	sbr.rel @!p0 .LBB2_2-.Ltmp0, $4  }
0x20: {  	[sflag:s17] =	ssyncset.done $0x0  }
0x21: {  	[sflag:s17] =	ssyncadd.s32 $0xFFFFD000  }
0x22: {  	_ =	swait.ge [sflag:s17], $0x3000  }
0x23: {  	s19 =	sadd.s32 $0xFFFFFFFF, s19;
	[sflag:s17] =	ssyncset.done $0x0  }
.LBB2_1:
0x24: {  	p0 =	sne.s32 s19, $0x1;
	s19 =	sadd.s32 $0xFFFFFFFF, s19;
	[sflag:s17] =	ssyncadd.s32 $0xFFFFD000  }
0x25: {  	[tilespmem:s3], [sflag:$0x5] =	stream.linear.gather [hbm4b:s4+s3], $0x180, $0x38;
	[tilespmem:$0x9200] =	vst v63  }
0x26: {  	_ =	swait.ge [sflag:s5], $0x180  }
0x27: {  	[sflag:s5] =	ssyncset.done $0x0  }
0x28: {  	[sflag:s5] =	ssyncadd.s32 $0xFFFFFE80  }
0x29: {  	[tilespmem:s7], [sflag:$0x1] =	stream.indirect.gather [hbm4b:s2+s6], $0x80, s3, s6, $0xb8;
	[tilespmem:$0x9200] =	vst v63  }
0x2a: {  	_ = 	snop  }
0x2b: {  	[tilespmem:s9], [sflag:$0x2] =	stream.indirect.gather [hbm4b:s2+s6], $0x80, s8, s6, $0xb8;
	[tilespmem:$0x9200] =	vst v63  }
0x2c: {  	_ = 	snop  }
0x2d: {  	[tilespmem:s11], [sflag:$0x3] =	stream.indirect.gather [hbm4b:s2+s6], $0x80, s10, s6, $0xb8;
	[tilespmem:$0x9200] =	vst v63  }
0x2e: {  	_ =	swait.ge [sflag:s12], $0x3000  }
0x2f: {  	[sflag:s12] =	ssyncset.done $0x0  }
0x30: {  	[sflag:s12] =	ssyncadd.s32 $0xFFFFD000  }
0x31: {  	[hbm4b:s13+s3] =	stream.linear.scatter [tilespmem:s7], [sflag:$0x4], $0x3000, $0x38;
	[tilespmem:$0x9200] =	vst v63  }
0x32: {  	_ =	swait.ge [sflag:s14], $0x3000  }
0x33: {  	[sflag:s14] =	ssyncset.done $0x0  }
0x34: {  	[sflag:s14] =	ssyncadd.s32 $0xFFFFD000  }
0x35: {  	[hbm4b:s15+s3] =	stream.linear.scatter [tilespmem:s9], [sflag:$0x4], $0x3000, $0x38;
	[tilespmem:$0x9200] =	vst v63  }
0x36: {  	_ =	swait.ge [sflag:s16], $0x3000  }
0x37: {  	[sflag:s16] =	ssyncset.done $0x0  }
0x38: {  	[sflag:s16] =	ssyncadd.s32 $0xFFFFD000  }
0x39: {  	[hbm4b:s18+s3] =	stream.linear.scatter [tilespmem:s11], [sflag:$0x4], $0x3000, $0x38;
	[tilespmem:$0x9200] =	vst v63  }
0x3a: {  	_ =	swait.ge [sflag:s17], $0x3000  }
0x3b: {  	[sflag:s17] =	ssyncset.done $0x0  }
0x3c: {  	[sflag:s17] =	ssyncadd.s32 $0xFFFFD000  }
.Ltmp1:
0x3d: {  	_ =	swait.ge [sflag:s17], $0x3000;
	(pc) =	sbr.rel @p0 .LBB2_1-.Ltmp1, $4  }
0x3e: {  	[sflag:s17] =	ssyncset.done $0x0  }
0x3f: {  	[sflag:s17] =	ssyncadd.s32 $0xFFFFD000  }
0x40: {  	_ =	swait.ge [sflag:s17], $0x3000  }
0x41: {  	[sflag:s17] =	ssyncset.done $0x0  }
.LBB2_2:
0x42: {  	[sflag:s17] =	ssyncadd.s32 $0xFFFFD000  }
0x43: {  	_ =	sfence.sel $0x180000  }
0x44: {  	[bflag:$0x0] =	sbarrier.arrive $0xFFFF  }
0x45: {  	p0 =	sne.s32 s0, $0x0;
	_ =	strace $0x90000047  }
0x46: {  	s0 =	sadd.s32 @!p0 $0x100000, s1;
	[bflag:$0x2] =	sbarrier.arrive $0xFFFF  }
0x47: {  	[sflag:s0] =	ssyncadd.tile.s32 @!p0 $0x1;
	_ =	shalt  }
.Lfunc_end2:
_tile_overlayer_lowered:
.L_overlay_start_2:
0x48: {  	(tag) =	ssettag $0x2  }
0x49: {  	s0 =	rddreg [dreg:$0x0];
	s2 =	stileid.u32  }
0x4a: {  	s1 =	rddreg [dreg:$0x1];
	p0 =	sne.s32 s2, $0x0  }
0x4b: {  	s3 =	rddreg [dreg:$0x2];
	[bflag:$0x3] =	sbarrier.arrive $0xFFFF;
	s2 =	simm.s32 @!p0 $0x1C05  }
0x4c: {  	[timem:s3], [sflag:s2] =	dma.local @!p0 [hbm:s0], s1  }
0x4d: {  	s0 =	simm.s32 @!p0 $0x5  }
0x4e: {  	_ =	swait.ge @!p0 [sflag:s0], s1  }
0x4f: {  	s1 =	ssub.s32 @!p0 $0x0, s1;
	[sflag:s0] =	ssyncset.done @!p0 $0x0  }
0x50: {  	[sflag:s0] =	ssyncadd.s32 @!p0 s1  }
0x51: {  	[bflag:$0x3] =	sbarrier.arrive $0xFFFF  }
0x52: {  	_ =	shalt  }

</sc_bundles>
